<compile_context>
chip_gen: v7x
topology: tpu7x:2x2x1
jax: 0.10.2.dev20260603
libtpu: 0.0.44.dev20260713+nightly
codegen_flags: <defaults>
</compile_context>

<pallas_src>
import functools

import jax
import jax.numpy as jnp
from jax import lax
from jax.experimental import pallas as pl
from jax.experimental.pallas import tpu as pltpu
from jax.experimental.pallas import tpu_sc as plsc

N_ROWS = 10000
D = 128
K = 5000

NC = 2
NS = 16
NW = NC * NS

CHUNK = 40
UNITS = K // CHUNK
UNITS_PER_W = -(-UNITS // NW)
UNITS_PAD = UNITS_PER_W * NW

ZBIG = 160
ZSMALL = 152
NBIG = 17
ZSPLIT = K + NBIG * ZBIG


def _sc_unpool(x, idx2, zsrc):
  mesh = plsc.VectorSubcoreMesh(core_axis_name="c", subcore_axis_name="s")

  @functools.partial(
      pl.kernel,
      mesh=mesh,
      out_type=jax.ShapeDtypeStruct((N_ROWS, D), jnp.float32),
      scratch_types=[
          pltpu.VMEM((UNITS_PAD, CHUNK), jnp.int32),
          pltpu.VMEM((CHUNK, D), jnp.float32),
          pltpu.VMEM((ZBIG, D), jnp.float32),
          pltpu.SemaphoreType.DMA,
      ],
  )
  def k(x_hbm, idx_hbm, z_hbm, out_hbm, idx_v, rows_v, zero_v, sem):
    wid = lax.axis_index("s") * NC + lax.axis_index("c")

    pltpu.sync_copy(z_hbm, zero_v)

    @pl.when(wid < NBIG)
    def _():
      pltpu.sync_copy(zero_v, out_hbm.at[pl.ds(K + wid * ZBIG, ZBIG)])

    @pl.when(wid >= NBIG)
    def _():
      pltpu.sync_copy(zero_v.at[pl.ds(0, ZSMALL)],
                      out_hbm.at[pl.ds(ZSPLIT + (wid - NBIG) * ZSMALL, ZSMALL)])

    pltpu.sync_copy(idx_hbm, idx_v)
    for i in range(UNITS_PER_W):
      unit = wid * UNITS_PER_W + i

      @pl.when(unit < UNITS)
      def _():
        pltpu.sync_copy(x_hbm.at[pl.ds(unit * CHUNK, CHUNK)], rows_v)
        pltpu.async_copy(rows_v, out_hbm.at[idx_v.at[unit]], sem).wait()

  return k(x, idx2, zsrc)


ABLK = 200


def _tc_copy(a):
  def body(a_ref, o_ref):
    o_ref[...] = a_ref[...]

  return pl.pallas_call(
      body,
      grid=(N_ROWS // ABLK,),
      in_specs=[pl.BlockSpec((ABLK, N_ROWS), lambda i: (i, 0))],
      out_specs=pl.BlockSpec((ABLK, N_ROWS), lambda i: (i, 0)),
      out_shape=jax.ShapeDtypeStruct((N_ROWS, N_ROWS), jnp.float32),
  )(a)


def kernel(A, X, idx):
  idx2 = jnp.pad(idx, (0, UNITS_PAD * CHUNK - K)).reshape(UNITS_PAD, CHUNK)
  zsrc = jnp.zeros((ZBIG, D), jnp.float32)
  new_X = _sc_unpool(X, idx2, zsrc)
  A_out = _tc_copy(A)
  return (A_out, new_X)

# --- scband reference (transcript-rebuilt; emitter-appended) ---
"""Pipeline reference for scband-graph-unpool-41970420417058 (READ-ONLY COPY).

The authoritative reference and input builder live on the scoring server;
editing this copy changes nothing except your own understanding.
"""

import jax, jax.numpy as jnp
import numpy as np

N = 10000
K = 5000
D = 128

def setup_inputs(seed: int = 0) -> dict:
    key = jax.random.key(seed)
    kA, kX = jax.random.split(key)
    A = jax.random.normal(kA, (N, N), dtype=jnp.float32)
    X = jax.random.normal(kX, (K, D), dtype=jnp.float32)
    idx = jnp.arange(K, dtype=jnp.int32)
    return {"A": A, "X": X, "idx": idx}

def reference(A, X, idx):
    # Faithful translation of GraphUnpool.forward:
    # new_X = zeros([A.shape[0], X.shape[1]]); new_X[idx] = X; return (A, new_X)
    new_X = jnp.zeros((A.shape[0], X.shape[1]), dtype=X.dtype)
    new_X = new_X.at[idx].set(X)
    return (A, new_X)

if __name__ == "__main__":
    import jax
    _d = setup_inputs()
    print(jax.jit(kernel)(*tuple(_d.values())))

</pallas_src>

<mosaic_0001>
#map = affine_map<(d0, d1) -> (0, 0)>
module attributes {stable_mosaic.version = 14 : i64} {
  func.func @k(%arg0: i32, %arg1: i32, %arg2: memref<5000x128xf32, #tpu.memory_space<hbm>>, %arg3: memref<128x40xi32, #tpu.memory_space<hbm>>, %arg4: memref<160x128xf32, #tpu.memory_space<hbm>>, %arg5: memref<10000x128xf32, #tpu.memory_space<hbm>>, %arg6: memref<128x40xi32, #tpu.memory_space<vmem>>, %arg7: memref<40x128xf32, #tpu.memory_space<vmem>>, %arg8: memref<160x128xf32, #tpu.memory_space<vmem>>, %arg9: memref<!tpu.dma_semaphore, #tpu.memory_space<semaphore_mem>>) attributes {dimension_semantics = [#tpu.dimension_semantics<core_parallel>, #tpu.dimension_semantics<subcore_parallel>], iteration_bounds = array<i64: 2, 16>, scalar_prefetch = 0 : i64, scratch_operands = 4 : i64, tpu.core_type = #tpu.core_type<sc_vector_subcore>, window_params = [{transform_indices = #map}, {transform_indices = #map}, {transform_indices = #map}, {transform_indices = #map}]} {
    %mul3A = arith.constant 2 : i32
    %mul3A_0 = arith.muli %arg1, %mul3A : i32
    %add3A = arith.addi %mul3A_0, %arg0 : i32
    "tpu.region"() ({
      %run_scoped3A = tpu.sem_alloc : memref<!tpu.dma_semaphore, #tpu.memory_space<semaphore_mem>>
      tpu.enqueue_dma source(%arg4 : memref<160x128xf32, #tpu.memory_space<hbm>>) target(%arg8 : memref<160x128xf32, #tpu.memory_space<vmem>>) target_semaphore(%run_scoped3A : memref<!tpu.dma_semaphore, #tpu.memory_space<semaphore_mem>>)
      tpu.wait_dma2 semaphore(%run_scoped3A : memref<!tpu.dma_semaphore, #tpu.memory_space<semaphore_mem>>) src(%arg4 : memref<160x128xf32, #tpu.memory_space<hbm>>) dst(%arg8 : memref<160x128xf32, #tpu.memory_space<vmem>>)
      tpu.yield
    }) : () -> ()
    %lt3A = arith.constant 17 : i32
    %lt3A_1 = arith.cmpi slt, %add3A, %lt3A : i32
    %convert_element_type3A = arith.extui %lt3A_1 : i1 to i32
    %cond3A = arith.constant 0 : i32
    %cond3A_2 = arith.cmpi ne, %convert_element_type3A, %cond3A : i32
    scf.if %cond3A_2 {
      %mul3A_43 = arith.constant 160 : i32
      %mul3A_44 = arith.muli %add3A, %mul3A_43 : i32
      %add3A_45 = arith.constant 5000 : i32
      %add3A_46 = arith.addi %add3A_45, %mul3A_44 : i32
      "tpu.region"() ({
        %run_scoped3A = tpu.sem_alloc : memref<!tpu.dma_semaphore, #tpu.memory_space<semaphore_mem>>
        %dma_start3A = arith.constant 0 : i32
        %dma_start3A_47 = tpu.memref_slice %arg5[%add3A_46, %dma_start3A] : memref<10000x128xf32, #tpu.memory_space<hbm>> -> memref<160x128xf32, #tpu.memory_space<hbm>>
        %dma_start3A_48 = arith.constant 0 : i32
        %dma_start3A_49 = tpu.memref_slice %arg5[%add3A_46, %dma_start3A_48] : memref<10000x128xf32, #tpu.memory_space<hbm>> -> memref<160x128xf32, #tpu.memory_space<hbm>>
        tpu.enqueue_dma source(%arg8 : memref<160x128xf32, #tpu.memory_space<vmem>>) target(%dma_start3A_49 : memref<160x128xf32, #tpu.memory_space<hbm>>) target_semaphore(%run_scoped3A : memref<!tpu.dma_semaphore, #tpu.memory_space<semaphore_mem>>)
        %dma_wait3A = arith.constant 0 : i32
        %dma_wait3A_50 = tpu.memref_slice %arg5[%add3A_46, %dma_wait3A] : memref<10000x128xf32, #tpu.memory_space<hbm>> -> memref<160x128xf32, #tpu.memory_space<hbm>>
        %dma_wait3A_51 = arith.constant 0 : i32
        %dma_wait3A_52 = tpu.memref_slice %arg5[%add3A_46, %dma_wait3A_51] : memref<10000x128xf32, #tpu.memory_space<hbm>> -> memref<160x128xf32, #tpu.memory_space<hbm>>
        tpu.wait_dma2 semaphore(%run_scoped3A : memref<!tpu.dma_semaphore, #tpu.memory_space<semaphore_mem>>) src(%arg8 : memref<160x128xf32, #tpu.memory_space<vmem>>) dst(%dma_wait3A_52 : memref<160x128xf32, #tpu.memory_space<hbm>>)
        tpu.yield
      }) : () -> ()
    } else {
    }
    %ge3A = arith.constant 17 : i32
    %ge3A_3 = arith.cmpi sge, %add3A, %ge3A : i32
    %convert_element_type3A_4 = arith.extui %ge3A_3 : i1 to i32
    %cond3A_5 = arith.constant 0 : i32
    %cond3A_6 = arith.cmpi ne, %convert_element_type3A_4, %cond3A_5 : i32
    scf.if %cond3A_6 {
      %sub3A = arith.constant 17 : i32
      %sub3A_43 = arith.subi %add3A, %sub3A : i32
      %mul3A_44 = arith.constant 152 : i32
      %mul3A_45 = arith.muli %sub3A_43, %mul3A_44 : i32
      %add3A_46 = arith.constant 7720 : i32
      %add3A_47 = arith.addi %add3A_46, %mul3A_45 : i32
      "tpu.region"() ({
        %run_scoped3A = tpu.sem_alloc : memref<!tpu.dma_semaphore, #tpu.memory_space<semaphore_mem>>
        %dma_start3A = arith.constant 0 : i32
        %dma_start3A_48 = arith.constant 0 : i32
        %dma_start3A_49 = tpu.memref_slice %arg8[%dma_start3A, %dma_start3A_48] : memref<160x128xf32, #tpu.memory_space<vmem>> -> memref<152x128xf32, #tpu.memory_space<vmem>>
        %dma_start3A_50 = arith.constant 0 : i32
        %dma_start3A_51 = tpu.memref_slice %arg5[%add3A_47, %dma_start3A_50] : memref<10000x128xf32, #tpu.memory_space<hbm>> -> memref<152x128xf32, #tpu.memory_space<hbm>>
        %dma_start3A_52 = arith.constant 0 : i32
        %dma_start3A_53 = tpu.memref_slice %arg5[%add3A_47, %dma_start3A_52] : memref<10000x128xf32, #tpu.memory_space<hbm>> -> memref<152x128xf32, #tpu.memory_space<hbm>>
        %dma_start3A_54 = arith.constant 0 : i32
        %dma_start3A_55 = arith.constant 0 : i32
        %dma_start3A_56 = tpu.memref_slice %arg8[%dma_start3A_54, %dma_start3A_55] : memref<160x128xf32, #tpu.memory_space<vmem>> -> memref<152x128xf32, #tpu.memory_space<vmem>>
        tpu.enqueue_dma source(%dma_start3A_56 : memref<152x128xf32, #tpu.memory_space<vmem>>) target(%dma_start3A_53 : memref<152x128xf32, #tpu.memory_space<hbm>>) target_semaphore(%run_scoped3A : memref<!tpu.dma_semaphore, #tpu.memory_space<semaphore_mem>>)
        %dma_wait3A = arith.constant 0 : i32
        %dma_wait3A_57 = arith.constant 0 : i32
        %dma_wait3A_58 = tpu.memref_slice %arg8[%dma_wait3A, %dma_wait3A_57] : memref<160x128xf32, #tpu.memory_space<vmem>> -> memref<152x128xf32, #tpu.memory_space<vmem>>
        %dma_wait3A_59 = arith.constant 0 : i32
        %dma_wait3A_60 = tpu.memref_slice %arg5[%add3A_47, %dma_wait3A_59] : memref<10000x128xf32, #tpu.memory_space<hbm>> -> memref<152x128xf32, #tpu.memory_space<hbm>>
        %dma_wait3A_61 = arith.constant 0 : i32
        %dma_wait3A_62 = tpu.memref_slice %arg5[%add3A_47, %dma_wait3A_61] : memref<10000x128xf32, #tpu.memory_space<hbm>> -> memref<152x128xf32, #tpu.memory_space<hbm>>
        %dma_wait3A_63 = arith.constant 0 : i32
        %dma_wait3A_64 = arith.constant 0 : i32
        %dma_wait3A_65 = tpu.memref_slice %arg8[%dma_wait3A_63, %dma_wait3A_64] : memref<160x128xf32, #tpu.memory_space<vmem>> -> memref<152x128xf32, #tpu.memory_space<vmem>>
        tpu.wait_dma2 semaphore(%run_scoped3A : memref<!tpu.dma_semaphore, #tpu.memory_space<semaphore_mem>>) src(%dma_wait3A_65 : memref<152x128xf32, #tpu.memory_space<vmem>>) dst(%dma_wait3A_62 : memref<152x128xf32, #tpu.memory_space<hbm>>)
        tpu.yield
      }) : () -> ()
    } else {
    }
    "tpu.region"() ({
      %run_scoped3A = tpu.sem_alloc : memref<!tpu.dma_semaphore, #tpu.memory_space<semaphore_mem>>
      tpu.enqueue_dma source(%arg3 : memref<128x40xi32, #tpu.memory_space<hbm>>) target(%arg6 : memref<128x40xi32, #tpu.memory_space<vmem>>) target_semaphore(%run_scoped3A : memref<!tpu.dma_semaphore, #tpu.memory_space<semaphore_mem>>)
      tpu.wait_dma2 semaphore(%run_scoped3A : memref<!tpu.dma_semaphore, #tpu.memory_space<semaphore_mem>>) src(%arg3 : memref<128x40xi32, #tpu.memory_space<hbm>>) dst(%arg6 : memref<128x40xi32, #tpu.memory_space<vmem>>)
      tpu.yield
    }) : () -> ()
    %mul3A_7 = arith.constant 4 : i32
    %mul3A_8 = arith.muli %add3A, %mul3A_7 : i32
    %add3A_9 = arith.constant 0 : i32
    %add3A_10 = arith.addi %mul3A_8, %add3A_9 : i32
    %lt3A_11 = arith.constant 125 : i32
    %lt3A_12 = arith.cmpi slt, %add3A_10, %lt3A_11 : i32
    %convert_element_type3A_13 = arith.extui %lt3A_12 : i1 to i32
    %cond3A_14 = arith.constant 0 : i32
    %cond3A_15 = arith.cmpi ne, %convert_element_type3A_13, %cond3A_14 : i32
    scf.if %cond3A_15 {
      %mul3A_43 = arith.constant 40 : i32
      %mul3A_44 = arith.muli %add3A_10, %mul3A_43 : i32
      "tpu.region"() ({
        %run_scoped3A = tpu.sem_alloc : memref<!tpu.dma_semaphore, #tpu.memory_space<semaphore_mem>>
        %dma_start3A_55 = arith.constant 0 : i32
        %dma_start3A_56 = tpu.memref_slice %arg2[%mul3A_44, %dma_start3A_55] : memref<5000x128xf32, #tpu.memory_space<hbm>> -> memref<40x128xf32, #tpu.memory_space<hbm>>
        %dma_start3A_57 = arith.constant 0 : i32
        %dma_start3A_58 = tpu.memref_slice %arg2[%mul3A_44, %dma_start3A_57] : memref<5000x128xf32, #tpu.memory_space<hbm>> -> memref<40x128xf32, #tpu.memory_space<hbm>>
        tpu.enqueue_dma source(%dma_start3A_58 : memref<40x128xf32, #tpu.memory_space<hbm>>) target(%arg7 : memref<40x128xf32, #tpu.memory_space<vmem>>) target_semaphore(%run_scoped3A : memref<!tpu.dma_semaphore, #tpu.memory_space<semaphore_mem>>)
        %dma_wait3A_59 = arith.constant 0 : i32
        %dma_wait3A_60 = tpu.memref_slice %arg2[%mul3A_44, %dma_wait3A_59] : memref<5000x128xf32, #tpu.memory_space<hbm>> -> memref<40x128xf32, #tpu.memory_space<hbm>>
        %dma_wait3A_61 = arith.constant 0 : i32
        %dma_wait3A_62 = tpu.memref_slice %arg2[%mul3A_44, %dma_wait3A_61] : memref<5000x128xf32, #tpu.memory_space<hbm>> -> memref<40x128xf32, #tpu.memory_space<hbm>>
        tpu.wait_dma2 semaphore(%run_scoped3A : memref<!tpu.dma_semaphore, #tpu.memory_space<semaphore_mem>>) src(%dma_wait3A_62 : memref<40x128xf32, #tpu.memory_space<hbm>>) dst(%arg7 : memref<40x128xf32, #tpu.memory_space<vmem>>)
        tpu.yield
      }) : () -> ()
      %dma_start3A = arith.constant 0 : i32
      %dma_start3A_45 = tpu.memref_slice %arg6[%add3A_10, %dma_start3A] : memref<128x40xi32, #tpu.memory_space<vmem>> -> memref<1x40xi32, #tpu.memory_space<vmem>>
      %dma_start3A_46 = tpu.memref_squeeze %dma_start3A_45 : memref<1x40xi32, #tpu.memory_space<vmem>> -> memref<40xi32, #tpu.memory_space<vmem>>
      %dma_start3A_47 = arith.constant 0 : i32
      %dma_start3A_48 = arith.constant 0 : i32
      %dma_start3A_49 = tpu.memref_slice %arg5[%dma_start3A_47, %dma_start3A_48] : memref<10000x128xf32, #tpu.memory_space<hbm>> -> memref<10000x128xf32, #tpu.memory_space<hbm>>
      tpu.enqueue_indirect_dma source(%arg7 : memref<40x128xf32, #tpu.memory_space<vmem>>) target(%dma_start3A_49 : memref<10000x128xf32, #tpu.memory_space<hbm>>) offsets(%dma_start3A_46 : memref<40xi32, #tpu.memory_space<vmem>>) semaphore(%arg9 : memref<!tpu.dma_semaphore, #tpu.memory_space<semaphore_mem>>)
      %dma_wait3A = arith.constant 0 : i32
      %dma_wait3A_50 = tpu.memref_slice %arg6[%add3A_10, %dma_wait3A] : memref<128x40xi32, #tpu.memory_space<vmem>> -> memref<1x40xi32, #tpu.memory_space<vmem>>
      %dma_wait3A_51 = tpu.memref_squeeze %dma_wait3A_50 : memref<1x40xi32, #tpu.memory_space<vmem>> -> memref<40xi32, #tpu.memory_space<vmem>>
      %dma_wait3A_52 = arith.constant 0 : i32
      %dma_wait3A_53 = arith.constant 0 : i32
      %dma_wait3A_54 = tpu.memref_slice %arg5[%dma_wait3A_52, %dma_wait3A_53] : memref<10000x128xf32, #tpu.memory_space<hbm>> -> memref<10000x128xf32, #tpu.memory_space<hbm>>
      tpu.wait_indirect_dma semaphore(%arg9 : memref<!tpu.dma_semaphore, #tpu.memory_space<semaphore_mem>>) src(%arg7 : memref<40x128xf32, #tpu.memory_space<vmem>>) dst(%dma_wait3A_54 : memref<10000x128xf32, #tpu.memory_space<hbm>>)
    } else {
    }
    %mul3A_16 = arith.constant 4 : i32
    %mul3A_17 = arith.muli %add3A, %mul3A_16 : i32
    %add3A_18 = arith.constant 1 : i32
    %add3A_19 = arith.addi %mul3A_17, %add3A_18 : i32
    %lt3A_20 = arith.constant 125 : i32
    %lt3A_21 = arith.cmpi slt, %add3A_19, %lt3A_20 : i32
    %convert_element_type3A_22 = arith.extui %lt3A_21 : i1 to i32
    %cond3A_23 = arith.constant 0 : i32
    %cond3A_24 = arith.cmpi ne, %convert_element_type3A_22, %cond3A_23 : i32
    scf.if %cond3A_24 {
      %mul3A_43 = arith.constant 40 : i32
      %mul3A_44 = arith.muli %add3A_19, %mul3A_43 : i32
      "tpu.region"() ({
        %run_scoped3A = tpu.sem_alloc : memref<!tpu.dma_semaphore, #tpu.memory_space<semaphore_mem>>
        %dma_start3A_55 = arith.constant 0 : i32
        %dma_start3A_56 = tpu.memref_slice %arg2[%mul3A_44, %dma_start3A_55] : memref<5000x128xf32, #tpu.memory_space<hbm>> -> memref<40x128xf32, #tpu.memory_space<hbm>>
        %dma_start3A_57 = arith.constant 0 : i32
        %dma_start3A_58 = tpu.memref_slice %arg2[%mul3A_44, %dma_start3A_57] : memref<5000x128xf32, #tpu.memory_space<hbm>> -> memref<40x128xf32, #tpu.memory_space<hbm>>
        tpu.enqueue_dma source(%dma_start3A_58 : memref<40x128xf32, #tpu.memory_space<hbm>>) target(%arg7 : memref<40x128xf32, #tpu.memory_space<vmem>>) target_semaphore(%run_scoped3A : memref<!tpu.dma_semaphore, #tpu.memory_space<semaphore_mem>>)
        %dma_wait3A_59 = arith.constant 0 : i32
        %dma_wait3A_60 = tpu.memref_slice %arg2[%mul3A_44, %dma_wait3A_59] : memref<5000x128xf32, #tpu.memory_space<hbm>> -> memref<40x128xf32, #tpu.memory_space<hbm>>
        %dma_wait3A_61 = arith.constant 0 : i32
        %dma_wait3A_62 = tpu.memref_slice %arg2[%mul3A_44, %dma_wait3A_61] : memref<5000x128xf32, #tpu.memory_space<hbm>> -> memref<40x128xf32, #tpu.memory_space<hbm>>
        tpu.wait_dma2 semaphore(%run_scoped3A : memref<!tpu.dma_semaphore, #tpu.memory_space<semaphore_mem>>) src(%dma_wait3A_62 : memref<40x128xf32, #tpu.memory_space<hbm>>) dst(%arg7 : memref<40x128xf32, #tpu.memory_space<vmem>>)
        tpu.yield
      }) : () -> ()
      %dma_start3A = arith.constant 0 : i32
      %dma_start3A_45 = tpu.memref_slice %arg6[%add3A_19, %dma_start3A] : memref<128x40xi32, #tpu.memory_space<vmem>> -> memref<1x40xi32, #tpu.memory_space<vmem>>
      %dma_start3A_46 = tpu.memref_squeeze %dma_start3A_45 : memref<1x40xi32, #tpu.memory_space<vmem>> -> memref<40xi32, #tpu.memory_space<vmem>>
      %dma_start3A_47 = arith.constant 0 : i32
      %dma_start3A_48 = arith.constant 0 : i32
      %dma_start3A_49 = tpu.memref_slice %arg5[%dma_start3A_47, %dma_start3A_48] : memref<10000x128xf32, #tpu.memory_space<hbm>> -> memref<10000x128xf32, #tpu.memory_space<hbm>>
      tpu.enqueue_indirect_dma source(%arg7 : memref<40x128xf32, #tpu.memory_space<vmem>>) target(%dma_start3A_49 : memref<10000x128xf32, #tpu.memory_space<hbm>>) offsets(%dma_start3A_46 : memref<40xi32, #tpu.memory_space<vmem>>) semaphore(%arg9 : memref<!tpu.dma_semaphore, #tpu.memory_space<semaphore_mem>>)
      %dma_wait3A = arith.constant 0 : i32
      %dma_wait3A_50 = tpu.memref_slice %arg6[%add3A_19, %dma_wait3A] : memref<128x40xi32, #tpu.memory_space<vmem>> -> memref<1x40xi32, #tpu.memory_space<vmem>>
      %dma_wait3A_51 = tpu.memref_squeeze %dma_wait3A_50 : memref<1x40xi32, #tpu.memory_space<vmem>> -> memref<40xi32, #tpu.memory_space<vmem>>
      %dma_wait3A_52 = arith.constant 0 : i32
      %dma_wait3A_53 = arith.constant 0 : i32
      %dma_wait3A_54 = tpu.memref_slice %arg5[%dma_wait3A_52, %dma_wait3A_53] : memref<10000x128xf32, #tpu.memory_space<hbm>> -> memref<10000x128xf32, #tpu.memory_space<hbm>>
      tpu.wait_indirect_dma semaphore(%arg9 : memref<!tpu.dma_semaphore, #tpu.memory_space<semaphore_mem>>) src(%arg7 : memref<40x128xf32, #tpu.memory_space<vmem>>) dst(%dma_wait3A_54 : memref<10000x128xf32, #tpu.memory_space<hbm>>)
    } else {
    }
    %mul3A_25 = arith.constant 4 : i32
    %mul3A_26 = arith.muli %add3A, %mul3A_25 : i32
    %add3A_27 = arith.constant 2 : i32
    %add3A_28 = arith.addi %mul3A_26, %add3A_27 : i32
    %lt3A_29 = arith.constant 125 : i32
    %lt3A_30 = arith.cmpi slt, %add3A_28, %lt3A_29 : i32
    %convert_element_type3A_31 = arith.extui %lt3A_30 : i1 to i32
    %cond3A_32 = arith.constant 0 : i32
    %cond3A_33 = arith.cmpi ne, %convert_element_type3A_31, %cond3A_32 : i32
    scf.if %cond3A_33 {
      %mul3A_43 = arith.constant 40 : i32
      %mul3A_44 = arith.muli %add3A_28, %mul3A_43 : i32
      "tpu.region"() ({
        %run_scoped3A = tpu.sem_alloc : memref<!tpu.dma_semaphore, #tpu.memory_space<semaphore_mem>>
        %dma_start3A_55 = arith.constant 0 : i32
        %dma_start3A_56 = tpu.memref_slice %arg2[%mul3A_44, %dma_start3A_55] : memref<5000x128xf32, #tpu.memory_space<hbm>> -> memref<40x128xf32, #tpu.memory_space<hbm>>
        %dma_start3A_57 = arith.constant 0 : i32
        %dma_start3A_58 = tpu.memref_slice %arg2[%mul3A_44, %dma_start3A_57] : memref<5000x128xf32, #tpu.memory_space<hbm>> -> memref<40x128xf32, #tpu.memory_space<hbm>>
        tpu.enqueue_dma source(%dma_start3A_58 : memref<40x128xf32, #tpu.memory_space<hbm>>) target(%arg7 : memref<40x128xf32, #tpu.memory_space<vmem>>) target_semaphore(%run_scoped3A : memref<!tpu.dma_semaphore, #tpu.memory_space<semaphore_mem>>)
        %dma_wait3A_59 = arith.constant 0 : i32
        %dma_wait3A_60 = tpu.memref_slice %arg2[%mul3A_44, %dma_wait3A_59] : memref<5000x128xf32, #tpu.memory_space<hbm>> -> memref<40x128xf32, #tpu.memory_space<hbm>>
        %dma_wait3A_61 = arith.constant 0 : i32
        %dma_wait3A_62 = tpu.memref_slice %arg2[%mul3A_44, %dma_wait3A_61] : memref<5000x128xf32, #tpu.memory_space<hbm>> -> memref<40x128xf32, #tpu.memory_space<hbm>>
        tpu.wait_dma2 semaphore(%run_scoped3A : memref<!tpu.dma_semaphore, #tpu.memory_space<semaphore_mem>>) src(%dma_wait3A_62 : memref<40x128xf32, #tpu.memory_space<hbm>>) dst(%arg7 : memref<40x128xf32, #tpu.memory_space<vmem>>)
        tpu.yield
      }) : () -> ()
      %dma_start3A = arith.constant 0 : i32
      %dma_start3A_45 = tpu.memref_slice %arg6[%add3A_28, %dma_start3A] : memref<128x40xi32, #tpu.memory_space<vmem>> -> memref<1x40xi32, #tpu.memory_space<vmem>>
      %dma_start3A_46 = tpu.memref_squeeze %dma_start3A_45 : memref<1x40xi32, #tpu.memory_space<vmem>> -> memref<40xi32, #tpu.memory_space<vmem>>
      %dma_start3A_47 = arith.constant 0 : i32
      %dma_start3A_48 = arith.constant 0 : i32
      %dma_start3A_49 = tpu.memref_slice %arg5[%dma_start3A_47, %dma_start3A_48] : memref<10000x128xf32, #tpu.memory_space<hbm>> -> memref<10000x128xf32, #tpu.memory_space<hbm>>
      tpu.enqueue_indirect_dma source(%arg7 : memref<40x128xf32, #tpu.memory_space<vmem>>) target(%dma_start3A_49 : memref<10000x128xf32, #tpu.memory_space<hbm>>) offsets(%dma_start3A_46 : memref<40xi32, #tpu.memory_space<vmem>>) semaphore(%arg9 : memref<!tpu.dma_semaphore, #tpu.memory_space<semaphore_mem>>)
      %dma_wait3A = arith.constant 0 : i32
      %dma_wait3A_50 = tpu.memref_slice %arg6[%add3A_28, %dma_wait3A] : memref<128x40xi32, #tpu.memory_space<vmem>> -> memref<1x40xi32, #tpu.memory_space<vmem>>
      %dma_wait3A_51 = tpu.memref_squeeze %dma_wait3A_50 : memref<1x40xi32, #tpu.memory_space<vmem>> -> memref<40xi32, #tpu.memory_space<vmem>>
      %dma_wait3A_52 = arith.constant 0 : i32
      %dma_wait3A_53 = arith.constant 0 : i32
      %dma_wait3A_54 = tpu.memref_slice %arg5[%dma_wait3A_52, %dma_wait3A_53] : memref<10000x128xf32, #tpu.memory_space<hbm>> -> memref<10000x128xf32, #tpu.memory_space<hbm>>
      tpu.wait_indirect_dma semaphore(%arg9 : memref<!tpu.dma_semaphore, #tpu.memory_space<semaphore_mem>>) src(%arg7 : memref<40x128xf32, #tpu.memory_space<vmem>>) dst(%dma_wait3A_54 : memref<10000x128xf32, #tpu.memory_space<hbm>>)
    } else {
    }
    %mul3A_34 = arith.constant 4 : i32
    %mul3A_35 = arith.muli %add3A, %mul3A_34 : i32
    %add3A_36 = arith.constant 3 : i32
    %add3A_37 = arith.addi %mul3A_35, %add3A_36 : i32
    %lt3A_38 = arith.constant 125 : i32
    %lt3A_39 = arith.cmpi slt, %add3A_37, %lt3A_38 : i32
    %convert_element_type3A_40 = arith.extui %lt3A_39 : i1 to i32
    %cond3A_41 = arith.constant 0 : i32
    %cond3A_42 = arith.cmpi ne, %convert_element_type3A_40, %cond3A_41 : i32
    scf.if %cond3A_42 {
      %mul3A_43 = arith.constant 40 : i32
      %mul3A_44 = arith.muli %add3A_37, %mul3A_43 : i32
      "tpu.region"() ({
        %run_scoped3A = tpu.sem_alloc : memref<!tpu.dma_semaphore, #tpu.memory_space<semaphore_mem>>
        %dma_start3A_55 = arith.constant 0 : i32
        %dma_start3A_56 = tpu.memref_slice %arg2[%mul3A_44, %dma_start3A_55] : memref<5000x128xf32, #tpu.memory_space<hbm>> -> memref<40x128xf32, #tpu.memory_space<hbm>>
        %dma_start3A_57 = arith.constant 0 : i32
        %dma_start3A_58 = tpu.memref_slice %arg2[%mul3A_44, %dma_start3A_57] : memref<5000x128xf32, #tpu.memory_space<hbm>> -> memref<40x128xf32, #tpu.memory_space<hbm>>
        tpu.enqueue_dma source(%dma_start3A_58 : memref<40x128xf32, #tpu.memory_space<hbm>>) target(%arg7 : memref<40x128xf32, #tpu.memory_space<vmem>>) target_semaphore(%run_scoped3A : memref<!tpu.dma_semaphore, #tpu.memory_space<semaphore_mem>>)
        %dma_wait3A_59 = arith.constant 0 : i32
        %dma_wait3A_60 = tpu.memref_slice %arg2[%mul3A_44, %dma_wait3A_59] : memref<5000x128xf32, #tpu.memory_space<hbm>> -> memref<40x128xf32, #tpu.memory_space<hbm>>
        %dma_wait3A_61 = arith.constant 0 : i32
        %dma_wait3A_62 = tpu.memref_slice %arg2[%mul3A_44, %dma_wait3A_61] : memref<5000x128xf32, #tpu.memory_space<hbm>> -> memref<40x128xf32, #tpu.memory_space<hbm>>
        tpu.wait_dma2 semaphore(%run_scoped3A : memref<!tpu.dma_semaphore, #tpu.memory_space<semaphore_mem>>) src(%dma_wait3A_62 : memref<40x128xf32, #tpu.memory_space<hbm>>) dst(%arg7 : memref<40x128xf32, #tpu.memory_space<vmem>>)
        tpu.yield
      }) : () -> ()
      %dma_start3A = arith.constant 0 : i32
      %dma_start3A_45 = tpu.memref_slice %arg6[%add3A_37, %dma_start3A] : memref<128x40xi32, #tpu.memory_space<vmem>> -> memref<1x40xi32, #tpu.memory_space<vmem>>
      %dma_start3A_46 = tpu.memref_squeeze %dma_start3A_45 : memref<1x40xi32, #tpu.memory_space<vmem>> -> memref<40xi32, #tpu.memory_space<vmem>>
      %dma_start3A_47 = arith.constant 0 : i32
      %dma_start3A_48 = arith.constant 0 : i32
      %dma_start3A_49 = tpu.memref_slice %arg5[%dma_start3A_47, %dma_start3A_48] : memref<10000x128xf32, #tpu.memory_space<hbm>> -> memref<10000x128xf32, #tpu.memory_space<hbm>>
      tpu.enqueue_indirect_dma source(%arg7 : memref<40x128xf32, #tpu.memory_space<vmem>>) target(%dma_start3A_49 : memref<10000x128xf32, #tpu.memory_space<hbm>>) offsets(%dma_start3A_46 : memref<40xi32, #tpu.memory_space<vmem>>) semaphore(%arg9 : memref<!tpu.dma_semaphore, #tpu.memory_space<semaphore_mem>>)
      %dma_wait3A = arith.constant 0 : i32
      %dma_wait3A_50 = tpu.memref_slice %arg6[%add3A_37, %dma_wait3A] : memref<128x40xi32, #tpu.memory_space<vmem>> -> memref<1x40xi32, #tpu.memory_space<vmem>>
      %dma_wait3A_51 = tpu.memref_squeeze %dma_wait3A_50 : memref<1x40xi32, #tpu.memory_space<vmem>> -> memref<40xi32, #tpu.memory_space<vmem>>
      %dma_wait3A_52 = arith.constant 0 : i32
      %dma_wait3A_53 = arith.constant 0 : i32
      %dma_wait3A_54 = tpu.memref_slice %arg5[%dma_wait3A_52, %dma_wait3A_53] : memref<10000x128xf32, #tpu.memory_space<hbm>> -> memref<10000x128xf32, #tpu.memory_space<hbm>>
      tpu.wait_indirect_dma semaphore(%arg9 : memref<!tpu.dma_semaphore, #tpu.memory_space<semaphore_mem>>) src(%arg7 : memref<40x128xf32, #tpu.memory_space<vmem>>) dst(%dma_wait3A_54 : memref<10000x128xf32, #tpu.memory_space<hbm>>)
    } else {
    }
    return
  }
}

module attributes {stable_mosaic.version = 14 : i64} {
  func.func @body(%arg0: i32, %arg1: memref<200x10000xf32, #tpu.memory_space<vmem>>, %arg2: memref<200x10000xf32, #tpu.memory_space<vmem>>) attributes {dimension_semantics = [#tpu.dimension_semantics<arbitrary>], iteration_bounds = array<i64: 50>, scalar_prefetch = 0 : i64, scratch_operands = 0 : i64, tpu.core_type = #tpu.core_type<tc>, window_params = [{transform_indices = @transform_0, window_bounds = array<i64: 200, 10000>}, {transform_indices = @transform_1, window_bounds = array<i64: 200, 10000>}]} {
    %get3A = arith.constant 0 : index
    %get3A_0 = arith.constant 0 : index
    %get3A_1 = vector.load %arg1[%get3A, %get3A_0] : memref<200x10000xf32, #tpu.memory_space<vmem>>, vector<200x10000xf32>
    %swap3A = arith.constant 0 : index
    %swap3A_2 = arith.constant 0 : index
    %swap3A_3 = vector.load %arg2[%swap3A, %swap3A_2] : memref<200x10000xf32, #tpu.memory_space<vmem>>, vector<200x10000xf32>
    tpu.vector_store %arg2[%swap3A, %swap3A_2], %get3A_1 {strides = array<i32>} : memref<200x10000xf32, #tpu.memory_space<vmem>>, vector<200x10000xf32>,
    return
  }
  func.func @transform_0(%arg0: i32) -> (i32, i32) {
    %c0_i32 = arith.constant 0 : i32
    %c0_i32_0 = arith.constant 0 : i32
    return %arg0, %c0_i32 : i32, i32
  }
  func.func @transform_1(%arg0: i32) -> (i32, i32) {
    %c0_i32 = arith.constant 0 : i32
    %c0_i32_0 = arith.constant 0 : i32
    return %arg0, %c0_i32 : i32, i32
  }
}

</mosaic_0001>

<sc_bundles>
// kernel: kernel.4.cloned.1.call-start
scs
__scs_entry_jumppad:
0x0: {  	(pc) =	sbr.rel $0x88, $3  }
0x1: {  	(tag) =	ssettag $0x0;
	lr =	simm.s32 $0x1  }
0x2: {  	[smem:$0x3F9E] =	sst lr;
	_ =	strace $0xD0000000  }
0x3: {  	_ = 	snop  }
0x4: {  	_ = 	snop  }
0x5: {  	_ = 	snop  }
0x6: {  	_ = 	snop  }
0x7: {  	_ = 	snop  }
__scs_overlays_trampoline_lowered:
0x8: {  	[smem:$0x3FAD] =	sst s0  }
0x9: {  	[smem:$0x3FAE] =	sst s1  }
0xa: {  	[smem:$0x3FAF] =	sst s2  }
0xb: {  	[smem:$0x3FB0] =	sst s3  }
0xc: {  	[smem:$0x3FB1] =	sst s4  }
0xd: {  	[smem:$0x3FB2] =	sst s5  }
0xe: {  	[smem:$0x3FB3] =	sst s6  }
0xf: {  	[smem:$0x3FB4] =	sst s7  }
0x10: {  	[smem:$0x3FB5] =	sst s8  }
0x11: {  	[smem:$0x3FB6] =	sst s9;
	s0 =	simm.s32 @!p0 $0x0  }
0x12: {  	s1 =	sld [smem:$0x3F9C];
	s0 =	simm.s32 @p0 $0x1  }
0x13: {  	[smem:$0x3FB7] =	sst s0;
	s0 =	simm.s32 @!p1 $0x0  }
0x14: {  	s2 =	sld [smem:$0x3F9B];
	s0 =	simm.s32 @p1 $0x1  }
0x15: {  	[smem:$0x3FB8] =	sst s0;
	s0 =	simm.s32 @!p2 $0x0  }
0x16: {  	s3 =	sld [smem:$0x3FDB];
	s0 =	simm.s32 @p2 $0x1  }
0x17: {  	s4 =	simm.s32 $0x1BF5;
	[smem:$0x3FBA] =	sst s0  }
0x18: {  	s0 =	sld [smem:$0x3F9D];
	_ =	swait.ge [sflag:s4], $0x0  }
0x19: {  	s7 =	sld [smem:$0x3F9E]  }
0x1a: {  	s8 =	sadd.s32 $0xFFFFE003, lr  }
0x1b: {  	s9 =	sadd.s32 $0xFFFFFEF7, lr;
	s5 =	simm.s32 $0xFFFFFFFF;
	p2 =	slt.u32 s8, $0xFFFFF086  }
0x1c: {  	p1 =	slt.u32 s9, $0xF7A;
	s5 =	simm.s32 @!p2 $0x0  }
0x1d: {  	s5 =	simm.s32 @p1 $0x1;
	p0 =	seq.s32 s7, s2  }
0x1e: {  	s7 =	smul.u32 @!p0 $0xF7A, s2;
	p2 =	seq.s32 @!p0 s5, $0x0  }
0x1f: {  	s9 =	smul.u32 $0xF7A, s1;
	s8 =	simm.s32 @!p0 $0x1BF5;
	p2 =	por !p2, p0  }
0x20: {  	[sflag:s8] =	ssyncset.s32 @!p0 $0xFFFFF086;
	s6 =	sadd.s32 @!p0 s3, s7;
	s7 =	simm.s32 @!p0 $0x108  }
0x21: {  	s3 =	sadd.s32 s3, s9;
	s6 =	sadd.s32 @!p0 $0x88, s6;
	s7 =	simm.s32 @p2 $0x1082  }
0x22: {  	[simem:s7], [sflag:s8] =	dma.local @!p0 [hbm:s6], $0xF7A  }
0x23: {  	s9 =	sor.u32 $0xD0000000, s2;
	s6 =	simm.s32 $0x108;
	_ =	swait.ge @!p0 [sflag:s8], $0x0  }
0x24: {  	s3 =	sadd.s32 $0x88, s3;
	s6 =	simm.s32 @!p1 $0x1082;
	[sflag:s4] =	ssyncset.s32 $0xFFFFF086  }
0x25: {  	[simem:s6], [sflag:s4] =	dma.local [hbm:s3], $0xF7A  }
0x26: {  	[smem:$0x3F9E] =	sst s1;
	(tag) =	ssettag s2;
	_ =	strace s9  }
0x27: {  	s1 =	sld [smem:$0x3FAE]  }
0x28: {  	s2 =	sld [smem:$0x3FAF]  }
0x29: {  	s4 =	sld [smem:$0x3FB1]  }
0x2a: {  	p0 =	seq.s32 s5, $0x0;
	s5 =	sld [smem:$0x3FB2]  }
0x2b: {  	s6 =	sld [smem:$0x3FB3]  }
0x2c: {  	s7 =	sld [smem:$0x3FB4]  }
0x2d: {  	s3 =	simm.s32 $0x108;
	s8 =	sld [smem:$0x3FB5]  }
0x2e: {  	s3 =	simm.s32 @!p0 $0x1082;
	s9 =	sld [smem:$0x3FB6]  }
0x2f: {  	lr =	sadd.s32 s0, s3;
	s0 =	sld [smem:$0x3FAD]  }
0x30: {  	s3 =	sld [smem:$0x3FB0]  }
0x31: {  	[smem:$0x3FB9] =	sst s10  }
0x32: {  	s10 =	sld [smem:$0x3FB7];
	_ =	sdelay $0x3  }
0x33: {  	p0 =	seq.s32 s10, $0x1;
	s10 =	sld [smem:$0x3FB9];
	_ =	sdelay $0x3  }
0x34: {  	[smem:$0x3FB9] =	sst s10  }
0x35: {  	s10 =	sld [smem:$0x3FB8];
	_ =	sdelay $0x3  }
0x36: {  	p1 =	seq.s32 s10, $0x1;
	s10 =	sld [smem:$0x3FB9];
	_ =	sdelay $0x3  }
0x37: {  	[smem:$0x3FB9] =	sst s10  }
0x38: {  	s10 =	sld [smem:$0x3FBA]  }
0x39: {  	_ = 	snop;
	(pc) =	sbr.ind lr, $3  }
0x3a: {  	_ = 	snop  }
0x3b: {  	_ = 	snop  }
0x3c: {  	p2 =	seq.s32 s10, $0x1;
	s10 =	sld [smem:$0x3FB9]  }
0x3d: {  	_ =	shalt  }
0x3e: {  	_ =	shalt  }
0x3f: {  	_ =	shalt  }
0x40: {  	_ =	shalt  }
0x41: {  	_ =	shalt  }
0x42: {  	_ =	shalt  }
0x43: {  	_ =	shalt  }
0x44: {  	_ =	shalt  }
0x45: {  	_ =	shalt  }
0x46: {  	_ =	shalt  }
0x47: {  	_ =	shalt  }
0x48: {  	_ =	shalt  }
0x49: {  	_ =	shalt  }
0x4a: {  	_ =	shalt  }
0x4b: {  	_ =	shalt  }
0x4c: {  	_ =	shalt  }
0x4d: {  	_ =	shalt  }
0x4e: {  	_ =	shalt  }
0x4f: {  	_ =	shalt  }
0x50: {  	_ =	shalt  }
0x51: {  	_ =	shalt  }
0x52: {  	_ =	shalt  }
0x53: {  	_ =	shalt  }
0x54: {  	_ =	shalt  }
0x55: {  	_ =	shalt  }
0x56: {  	_ =	shalt  }
0x57: {  	_ =	shalt  }
0x58: {  	_ =	shalt  }
0x59: {  	_ =	shalt  }
0x5a: {  	_ =	shalt  }
0x5b: {  	_ =	shalt  }
0x5c: {  	_ =	shalt  }
0x5d: {  	_ =	shalt  }
0x5e: {  	_ =	shalt  }
0x5f: {  	_ =	shalt  }
0x60: {  	_ =	shalt  }
0x61: {  	_ =	shalt  }
0x62: {  	_ =	shalt  }
0x63: {  	_ =	shalt  }
0x64: {  	_ =	shalt  }
0x65: {  	_ =	shalt  }
0x66: {  	_ =	shalt  }
0x67: {  	_ =	shalt  }
0x68: {  	_ =	shalt  }
0x69: {  	_ =	shalt  }
0x6a: {  	_ =	shalt  }
0x6b: {  	_ =	shalt  }
0x6c: {  	_ =	shalt  }
0x6d: {  	_ =	shalt  }
0x6e: {  	_ =	shalt  }
0x6f: {  	_ =	shalt  }
0x70: {  	_ =	shalt  }
0x71: {  	_ =	shalt  }
0x72: {  	_ =	shalt  }
0x73: {  	_ =	shalt  }
0x74: {  	_ =	shalt  }
0x75: {  	_ =	shalt  }
0x76: {  	_ =	shalt  }
0x77: {  	_ =	shalt  }
0x78: {  	_ =	shalt  }
0x79: {  	_ =	shalt  }
0x7a: {  	_ =	shalt  }
0x7b: {  	_ =	shalt  }
0x7c: {  	_ =	shalt  }
0x7d: {  	_ =	shalt  }
0x7e: {  	_ =	shalt  }
0x7f: {  	_ =	shalt  }
0x80: {  	_ =	shalt  }
0x81: {  	_ =	shalt  }
0x82: {  	_ =	shalt  }
0x83: {  	_ =	shalt  }
0x84: {  	_ =	shalt  }
0x85: {  	_ =	shalt  }
0x86: {  	_ =	shalt  }
0x87: {  	_ =	shalt  }
.Lfunc_end0:
.L_simem_size_0:
called_computation_lowered:
.L_overlay_start_0:
0x88: {  	s2 =	sld [smem:$0x3FD9]  }
0x89: {  	s3 =	sld [smem:$0x3FFE];
	_ =	sdelay $0x1  }
0x8a: {  	s1 =	srdreg.scid  }
0x8b: {  	s0 =	sand.u32 $0x1, s1  }
0x8c: {  	s14 =	sshll.u32 s0, $0xA;
	s2 =	sadd.s32 s3, s2  }
0x8d: {  	s2 =	sadd.s32 s2, s14  }
0x8e: {  	[smem:$0x3FC5] =	sst s2  }
0x8f: {  	_ = 	snop  }
0x90: {  	s2 =	sld [smem:$0x3FD0];
	_ =	sdelay $0x2  }
0x91: {  	s4 =	simm.s32 $0xA;
	s5 =	simm.s32 $0x10;
	s15 =	sld [smem:$0x3FC8]  }
0x92: {  	[smem:s5], [sflag:s4] =	dma.local [hbm:s2], $0x1  }
0x93: {  	_ =	swait.eq [sflag:s4], $0x1  }
0x94: {  	[sflag:s4] =	ssyncset.done $0x0  }
0x95: {  	[sflag:s4] =	ssyncadd.s32 $0xFFFFFFFF  }
0x96: {  	s16 =	sld [smem:$0x11];
	(tm) =	ssettm $0x1  }
0x97: {  	s17 =	sld [smem:$0x3FFB];
	_ =	sdelay $0x3  }
0x98: {  	_ =	strace s17  }
0x99: {  	s4 =	sld [smem:$0x3FFC];
	_ =	sdelay $0x3  }
0x9a: {  	_ =	strace s4  }
0x9b: {  	s4 =	sld [smem:$0x3FFD];
	_ =	sdelay $0x3  }
0x9c: {  	_ =	strace s4  }
0x9d: {  	_ =	strace $0x8FFFFFFF  }
0x9e: {  	s18 =	sld [smem:$0x3FDB];
	_ =	sdelay $0x1  }
0x9f: {  	s19 =	simm.s32 $_scs_section_size  }
0xa0: {  	s6 =	simm.s32 $_size__tile_overlayer_lowered;
	s7 =	simm.s32 $_tile_overlayer_lowered  }
0xa1: {  	s22 =	simm.s32 $0x1BFF;
	s21 =	sshll.u32 s7, $0x1;
	s4 =	sadd.s32 s19, s18  }
0xa2: {  	s8 =	simm.s32 $0x0;
	s20 =	sshll.u32 s6, $0x1;
	s6 =	sadd.s32 s21, s4  }
0xa3: {  	[timem:s8], [sflag:s22] =	dma.local [hbm:s6], s20  }
0xa4: {  	_ =	swait.ge [sflag:s22], s20  }
0xa5: {  	s5 =	ssub.s32 $0x0, s20;
	[sflag:s22] =	ssyncset.done $0x0  }
0xa6: {  	[sflag:s22] =	ssyncadd.s32 s5;
	_ =	sdelay $0x1  }
0xa7: {  	s23 =	simm.s32 $0x1B8B  }
0xa8: {  	_ =	swait.ge [sflag:s23], $0x1  }
0xa9: {  	[sflag:s23] =	ssyncset.done $0x0  }
0xaa: {  	s25 =	simm.s32 $0x1B8E;
	s24 =	sld [smem:$0x3FFE];
	[sflag:s23] =	ssyncadd.s32 $0xFFFFFFFF  }
0xab: {  	s26 =	simm.s32 $execute0_lowered;
	[smem:$0x3FD2] =	sst s25  }
0xac: {  	s6 =	sshll.u32 s26, $0x1;
	_ =	strace $0x80000046;
	[dreg:$0x1] =	wrdreg $0xFFFFFFFF  }
0xad: {  	s28 =	simm.s32 $_size_execute0_lowered;
	s4 =	sadd.s32 s4, s6;
	[dreg:$0x0] =	wrdreg $0x0  }
0xae: {  	s6 =	sshll.u32 s28, $0x1;
	[dreg:$0x2] =	wrdreg s4  }
0xaf: {  	[dreg:$0x3] =	wrdreg s6  }
0xb0: {  	[dreg:$0x4] =	wrdreg $0xC0  }
0xb1: {  	_ =	task [dreg:s8], $0x5FFFF  }
0xb2: {  	[dreg:$0x1] =	wrdreg $0xFFFFFFFF  }
0xb3: {  	[dreg:$0x0] =	wrdreg $0x60  }
0xb4: {  	[dreg:$0x2] =	wrdreg s15  }
0xb5: {  	[dreg:$0x3] =	wrdreg s24  }
0xb6: {  	[dreg:$0x4] =	wrdreg s16  }
0xb7: {  	[dreg:$0x5] =	wrdreg $0x9  }
0xb8: {  	_ =	task.clear_ibuf [dreg:s8], $0x6FFFF;
	_ =	strace $0x90000046  }
0xb9: {  	s29 =	simm.s32 $0x9;
	_ =	strace $0x80000048  }
0xba: {  	_ =	swait.ge [sflag:s29], $0x1  }
0xbb: {  	[sflag:s29] =	ssyncadd.s32 $0xFFFFFFFF  }
0xbc: {  	_ =	strace $0x90000048  }
0xbd: {  	_ =	sfence  }
0xbe: {  	s30 =	sld [smem:$0x0];
	_ =	sdelay $0x2  }
0xbf: {  	s31 =	sshll.u32 s1, $0xD;
	s1 =	sshrl.u32 s1, $0x2  }
0xc0: {  	s3 =	sand.u32 $0x4000, s31;
	s1 =	sadd.s32 s1, s30  }
0xc1: {  	s0 =	sor.u32 s3, s0;
	s1 =	sshll.u32 s1, $0x11  }
0xc2: {  	s0 =	sor.u32 s1, s0  }
0xc3: {  	s0 =	sadd.s32 $0x8F2B, s0  }
0xc4: {  	[sflag:s0] =	ssyncadd.remote.s32 $0x1  }
0xc5: {  	_ =	sfence.sel $0xFFFF  }
0xc6: {  	[dreg:$0x0] =	wrdreg $0xFFFFFFFF;
	(pc) =	sbr.abs _section_cstart, $3  }
0xc7: {  	[dreg:$0x1] =	wrdreg $0xFFFFFFFF  }
0xc8: {  	_ =	task.clear_ibuf [dreg:s8], $0x2FFFF;
	_ =	strace $0x9FFFFFFF  }
0xc9: {  	(tm) =	ssettm $0x7FFFFFFF  }
tec
execute0_lowered:
.L_overlay_start_1:
0x0: {  	(tag) =	ssettag $0x1  }
0x1: {  	s0 =	rddreg [dreg:$0x0]  }
0x2: {  	s1 =	rddreg [dreg:$0x1]  }
0x3: {  	s2 =	rddreg [dreg:$0x2]  }
0x4: {  	s15 =	rddreg [dreg:$0x3]  }
0x5: {  	s3 =	srdreg.scid;
	s17 =	stileid.u32  }
0x6: {  	s4 =	simm.s32 $0x0;
	s11 =	simm.s32 $0x4000;
	p4 =	por $0x0, $0x0  }
0x7: {  	s3 =	sand.u32 $0x1, s3;
	s5 =	sshll.u32 s17, $0x1;
	[smem:$0x7FF] =	sst s4  }
0x8: {  	s18 =	sadd.s32 $0x400, s1;
	s1 =	sadd.s32 $0xC00, s1;
	s9 =	sor.u32 s3, s5  }
0x9: {  	_ =	strace $0x80000047;
	[dreg:$0x4] =	wrdreg s18;
	s6 =	smul.u32 $0x4C00, s9  }
0xa: {  	[dreg:$0x5] =	wrdreg s1;
	s20 =	ssub.s32 $0x2, s3;
	s19 =	smul.u32 $0x5000, s9  }
0xb: {  	s18 =	simm.s32 $0x28;
	s22 =	sshrl.u32 s20, $0x1;
	s7 =	smul.u32 $0xA00, s9  }
0xc: {  	s24 =	sshll.u32 s9, $0x2;
	s29 =	sshll.u32 s9, $0x9;
	s14 =	sshllo.u32 s9, $0x2  }
0xd: {  	p3 =	sgt.u32 s9, $0x10;
	p2 =	seq.s32 s9, $0x1F;
	s9 =	simm.s32 $0x1  }
0xe: {  	s16 =	rddreg [dreg:$0x5];
	s26 =	sor.u32 $0x1, s24;
	s13 =	sor.u32 $0x2, s24  }
0xf: {  	[dreg:$0x9] =	wrdreg s29;
	s30 =	smul.u32 $0x280, s14;
	s1 =	ssub.s32 s20, s22  }
0x10: {  	p0 =	sgt.u32 s14, $0x7C;
	s21 =	sshrl.u32 s6, $0x3;
	s5 =	sshrl.u32 s19, $0x3  }
0x11: {  	s25 =	sadd.s32 s0, s7;
	s28 =	smul.u32 $0x280, s26;
	s31 =	smax.u32 s1, $0x1  }
0x12: {  	s10 =	smul.u32 $0x280, s13;
	s8 =	sshll.u32 s26, $0x7;
	s12 =	sadd.s32 $0xFFFFFFFF, s31  }
0x13: {  	s6 =	sshll.u32 s13, $0x7;
	s1 =	simm.s32 $0x5400;
	p5 =	sne.s32 s12, $0x0  }
.Ltmp0:
0x14: {  	p1 =	sgt.u32 s13, $0x7C;
	s3 =	sadd.s32 s2, s21;
	(pc) =	sbr.rel @!p5 .LBB2_1-.Ltmp0, $4  }
0x15: {  	s5 =	sadd.s32 s2, s5;
	[dreg:$0x8] =	wrdreg s25;
	s3 =	sadd.s32 $0x14100, s3  }
0x16: {  	s23 =	sadd.s32 $0x13880, s5;
	s7 =	sadd.s32 s0, s10;
	[dreg:$0x6] =	wrdreg s3  }
0x17: {  	s5 =	sadd.s32 s0, s30;
	[dreg:$0x7] =	wrdreg s23;
	s3 =	sadd.s32 s0, s28  }
0x18: {  	s10 =	simm.s32 $0x2;
	[dreg:$0xa] =	wrdreg s3;
	s3 =	sshll.u32 s14, $0x7  }
0x19: {  	[tilespmem:s1], [sflag:$0x2] =	stream.linear.gather [hbm4b:s16+s4], $0x5000, $0x38;
	[tilespmem:$0xA400] =	vst v63  }
0x1a: {  	_ =	swait.ge [sflag:s10], $0x5000  }
0x1b: {  	s14 =	simm.s32 @p3 $0x2;
	s1 =	simm.s32 @p3 $0x0;
	[sflag:s10] =	ssyncset.done $0x0  }
0x1c: {  	s13 =	simm.s32 @p3 $0x5400;
	s0 =	rddreg [dreg:$0x6];
	[sflag:s10] =	ssyncadd.s32 $0xFFFFB000  }
0x1d: {  	[hbm4b:s0+s1] =	stream.linear.scatter @p3 [tilespmem:s13], [sflag:$0x2], $0x4C00, $0x38;
	[tilespmem:$0xA400] =	vst v63  }
0x1e: {  	_ =	swait.ge @p3 [sflag:s14], $0x4C00  }
0x1f: {  	s17 =	simm.s32 @!p3 $0x2;
	s1 =	simm.s32 @!p3 $0x0;
	[sflag:s14] =	ssyncset.done @p3 $0x0  }
0x20: {  	s13 =	simm.s32 @!p3 $0x5400;
	s0 =	rddreg [dreg:$0x7];
	[sflag:s14] =	ssyncadd.s32 @p3 $0xFFFFB400  }
0x21: {  	[hbm4b:s0+s1] =	stream.linear.scatter @!p3 [tilespmem:s13], [sflag:$0x2], $0x5000, $0x38;
	[tilespmem:$0xA400] =	vst v63  }
0x22: {  	_ =	swait.ge @!p3 [sflag:s17], $0x5000  }
0x23: {  	[sflag:s17] =	ssyncset.done @!p3 $0x0  }
0x24: {  	s24 =	rddreg [dreg:$0x4];
	[sflag:s17] =	ssyncadd.s32 @!p3 $0xFFFFB000  }
0x25: {  	[tilespmem:s4], [sflag:$0x2] =	stream.linear.gather [hbm4b:s24+s4], $0x4000, $0x38;
	[tilespmem:$0xA400] =	vst v63  }
0x26: {  	_ =	swait.ge [sflag:s10], $0x4000  }
0x27: {  	[sflag:s10] =	ssyncset.done $0x0  }
0x28: {  	s25 =	rddreg [dreg:$0x8];
	[sflag:s10] =	ssyncadd.s32 $0xFFFFC000  }
0x29: {  	[tilespmem:s11], [sflag:$0x2] =	stream.linear.gather [hbm4b:s25+s4], $0x1400, $0x38;
	[tilespmem:$0xA400] =	vst v63  }
0x2a: {  	_ =	swait.ge [sflag:s10], $0x1400  }
0x2b: {  	[sflag:s10] =	ssyncset.done $0x0  }
0x2c: {  	s26 =	rddreg [dreg:$0x9];
	[sflag:s10] =	ssyncadd.s32 $0xFFFFEC00  }
0x2d: {  	[hbm4b:s2+s18] =	stream.indirect.scatter [tilespmem:s11], [sflag:$0x1], $0x80, s26, s18, $0xb8;
	[tilespmem:$0xA400] =	vst v63  }
0x2e: {  	_ =	swait.ge [sflag:s9], $0x1400  }
0x2f: {  	s20 =	simm.s32 @!p2 $0x2;
	s22 =	simm.s32 @!p2 $0x4000;
	[sflag:s9] =	ssyncset.done $0x0  }
0x30: {  	s1 =	simm.s32 @!p2 $0x0;
	s0 =	rddreg [dreg:$0xa];
	[sflag:s9] =	ssyncadd.s32 $0xFFFFEC00  }
0x31: {  	[tilespmem:s22], [sflag:$0x2] =	stream.linear.gather @!p2 [hbm4b:s0+s1], $0x1400, $0x38;
	[tilespmem:$0xA400] =	vst v63  }
0x32: {  	_ =	swait.ge @!p2 [sflag:s20], $0x1400  }
0x33: {  	[sflag:s20] =	ssyncset.done @!p2 $0x0  }
0x34: {  	s23 =	simm.s32 @!p2 $0x28;
	s24 =	simm.s32 @!p2 $0x1;
	[sflag:s20] =	ssyncadd.s32 @!p2 $0xFFFFEC00  }
0x35: {  	[hbm4b:s2+s23] =	stream.indirect.scatter @!p2 [tilespmem:s22], [sflag:$0x1], $0x80, s8, s23, $0xb8;
	[tilespmem:$0xA400] =	vst v63  }
0x36: {  	_ =	swait.ge @!p2 [sflag:s24], $0x1400  }
0x37: {  	s28 =	simm.s32 @!p1 $0x4000;
	[sflag:s24] =	ssyncset.done @!p2 $0x0  }
0x38: {  	s25 =	simm.s32 @!p1 $0x2;
	s26 =	simm.s32 @!p1 $0x0;
	[sflag:s24] =	ssyncadd.s32 @!p2 $0xFFFFEC00  }
0x39: {  	[tilespmem:s28], [sflag:$0x2] =	stream.linear.gather @!p1 [hbm4b:s7+s26], $0x1400, $0x38;
	[tilespmem:$0xA400] =	vst v63  }
0x3a: {  	_ =	swait.ge @!p1 [sflag:s25], $0x1400  }
0x3b: {  	[sflag:s25] =	ssyncset.done @!p1 $0x0  }
0x3c: {  	s29 =	simm.s32 @!p1 $0x28;
	s30 =	simm.s32 @!p1 $0x1;
	[sflag:s25] =	ssyncadd.s32 @!p1 $0xFFFFEC00  }
0x3d: {  	[hbm4b:s2+s29] =	stream.indirect.scatter @!p1 [tilespmem:s28], [sflag:$0x1], $0x80, s6, s29, $0xb8;
	[tilespmem:$0xA400] =	vst v63  }
0x3e: {  	_ =	swait.ge @!p1 [sflag:s30], $0x1400  }
0x3f: {  	s31 =	simm.s32 @!p0 $0x2;
	s13 =	sadd.s32 $0xFFFFFFFF, s12;
	[sflag:s30] =	ssyncset.done @!p1 $0x0  }
0x40: {  	s0 =	simm.s32 @!p0 $0x0;
	s1 =	simm.s32 @!p0 $0x4000;
	[sflag:s30] =	ssyncadd.s32 @!p1 $0xFFFFEC00  }
0x41: {  	[tilespmem:s1], [sflag:$0x2] =	stream.linear.gather @!p0 [hbm4b:s5+s0], $0x1400, $0x38;
	[tilespmem:$0xA400] =	vst v63  }
0x42: {  	p5 =	sne.s32 s13, $0x0;
	_ =	swait.ge @!p0 [sflag:s31], $0x1400  }
.Ltmp1:
0x43: {  	[sflag:s31] =	ssyncset.done @!p0 $0x0;
	(pc) =	sbr.rel @!p5 .LBB2_3-.Ltmp1, $4  }
0x44: {  	s15 =	simm.s32 @!p0 $0x28;
	s12 =	simm.s32 @!p0 $0x1;
	[sflag:s31] =	ssyncadd.s32 @!p0 $0xFFFFEC00  }
0x45: {  	[hbm4b:s2+s15] =	stream.indirect.scatter @!p0 [tilespmem:s1], [sflag:$0x1], $0x80, s3, s15, $0xb8;
	[tilespmem:$0xA400] =	vst v63  }
0x46: {  	s19 =	simm.s32 $0x5400;
	_ =	swait.ge @!p0 [sflag:s12], $0x1400  }
0x47: {  	p4 =	por $0x1, $0x1;
	s16 =	rddreg [dreg:$0x5];
	[sflag:s12] =	ssyncset.done @!p0 $0x0  }
.LBB2_4:
0x48: {  	[sflag:s12] =	ssyncadd.s32 @!p0 $0xFFFFEC00  }
0x49: {  	[tilespmem:s19], [sflag:$0x2] =	stream.linear.gather [hbm4b:s16+s4], $0x5000, $0x38;
	[tilespmem:$0xA400] =	vst v63  }
0x4a: {  	_ =	swait.ge [sflag:s10], $0x5000  }
0x4b: {  	s18 =	simm.s32 @p3 $0x0;
	[sflag:s10] =	ssyncset.done $0x0  }
0x4c: {  	s21 =	simm.s32 @p3 $0x5400;
	s16 =	rddreg [dreg:$0x6];
	[sflag:s10] =	ssyncadd.s32 $0xFFFFB000  }
0x4d: {  	[hbm4b:s16+s18] =	stream.linear.scatter @p3 [tilespmem:s21], [sflag:$0x2], $0x4C00, $0x38;
	[tilespmem:$0xA400] =	vst v63  }
0x4e: {  	_ =	swait.ge @p3 [sflag:s14], $0x4C00  }
0x4f: {  	s18 =	simm.s32 @!p3 $0x0;
	[sflag:s14] =	ssyncset.done @p3 $0x0  }
0x50: {  	s21 =	simm.s32 @!p3 $0x5400;
	s16 =	rddreg [dreg:$0x7];
	[sflag:s14] =	ssyncadd.s32 @p3 $0xFFFFB400  }
0x51: {  	[hbm4b:s16+s18] =	stream.linear.scatter @!p3 [tilespmem:s21], [sflag:$0x2], $0x5000, $0x38;
	[tilespmem:$0xA400] =	vst v63  }
0x52: {  	_ =	swait.ge @!p3 [sflag:s17], $0x5000  }
0x53: {  	[sflag:s17] =	ssyncset.done @!p3 $0x0  }
0x54: {  	s18 =	rddreg [dreg:$0x4];
	[sflag:s17] =	ssyncadd.s32 @!p3 $0xFFFFB000  }
0x55: {  	[tilespmem:s4], [sflag:$0x2] =	stream.linear.gather [hbm4b:s18+s4], $0x4000, $0x38;
	[tilespmem:$0xA400] =	vst v63  }
0x56: {  	_ =	swait.ge [sflag:s10], $0x4000  }
0x57: {  	[sflag:s10] =	ssyncset.done $0x0  }
0x58: {  	s21 =	rddreg [dreg:$0x8];
	[sflag:s10] =	ssyncadd.s32 $0xFFFFC000  }
0x59: {  	[tilespmem:s11], [sflag:$0x2] =	stream.linear.gather [hbm4b:s21+s4], $0x1400, $0x38;
	[tilespmem:$0xA400] =	vst v63  }
0x5a: {  	_ =	swait.ge [sflag:s10], $0x1400  }
0x5b: {  	[sflag:s10] =	ssyncset.done $0x0  }
0x5c: {  	s21 =	simm.s32 $0x28;
	s18 =	rddreg [dreg:$0x9];
	[sflag:s10] =	ssyncadd.s32 $0xFFFFEC00  }
0x5d: {  	[hbm4b:s2+s21] =	stream.indirect.scatter [tilespmem:s11], [sflag:$0x1], $0x80, s18, s21, $0xb8;
	[tilespmem:$0xA400] =	vst v63  }
0x5e: {  	_ =	swait.ge [sflag:s9], $0x1400  }
0x5f: {  	[sflag:s9] =	ssyncset.done $0x0  }
0x60: {  	s18 =	simm.s32 @!p2 $0x0;
	s16 =	rddreg [dreg:$0xa];
	[sflag:s9] =	ssyncadd.s32 $0xFFFFEC00  }
0x61: {  	[tilespmem:s22], [sflag:$0x2] =	stream.linear.gather @!p2 [hbm4b:s16+s18], $0x1400, $0x38;
	[tilespmem:$0xA400] =	vst v63  }
0x62: {  	_ =	swait.ge @!p2 [sflag:s20], $0x1400  }
0x63: {  	[sflag:s20] =	ssyncset.done @!p2 $0x0  }
0x64: {  	[sflag:s20] =	ssyncadd.s32 @!p2 $0xFFFFEC00  }
0x65: {  	[hbm4b:s2+s23] =	stream.indirect.scatter @!p2 [tilespmem:s22], [sflag:$0x1], $0x80, s8, s23, $0xb8;
	[tilespmem:$0xA400] =	vst v63  }
0x66: {  	_ =	swait.ge @!p2 [sflag:s24], $0x1400  }
0x67: {  	[sflag:s24] =	ssyncset.done @!p2 $0x0  }
0x68: {  	[sflag:s24] =	ssyncadd.s32 @!p2 $0xFFFFEC00  }
0x69: {  	[tilespmem:s28], [sflag:$0x2] =	stream.linear.gather @!p1 [hbm4b:s7+s26], $0x1400, $0x38;
	[tilespmem:$0xA400] =	vst v63  }
0x6a: {  	_ =	swait.ge @!p1 [sflag:s25], $0x1400  }
0x6b: {  	[sflag:s25] =	ssyncset.done @!p1 $0x0  }
0x6c: {  	[sflag:s25] =	ssyncadd.s32 @!p1 $0xFFFFEC00  }
0x6d: {  	[hbm4b:s2+s29] =	stream.indirect.scatter @!p1 [tilespmem:s28], [sflag:$0x1], $0x80, s6, s29, $0xb8;
	[tilespmem:$0xA400] =	vst v63  }
0x6e: {  	_ =	swait.ge @!p1 [sflag:s30], $0x1400  }
0x6f: {  	[sflag:s30] =	ssyncset.done @!p1 $0x0  }
0x70: {  	s13 =	sadd.s32 $0xFFFFFFFF, s13;
	[sflag:s30] =	ssyncadd.s32 @!p1 $0xFFFFEC00  }
0x71: {  	[tilespmem:s1], [sflag:$0x2] =	stream.linear.gather @!p0 [hbm4b:s5+s0], $0x1400, $0x38;
	[tilespmem:$0xA400] =	vst v63  }
0x72: {  	p5 =	sne.s32 s13, $0x0;
	_ =	swait.ge @!p0 [sflag:s31], $0x1400  }
.Ltmp2:
0x73: {  	[sflag:s31] =	ssyncset.done @!p0 $0x0;
	(pc) =	sbr.rel @p5 .LBB2_4-.Ltmp2, $4  }
0x74: {  	[sflag:s31] =	ssyncadd.s32 @!p0 $0xFFFFEC00  }
0x75: {  	[hbm4b:s2+s15] =	stream.indirect.scatter @!p0 [tilespmem:s1], [sflag:$0x1], $0x80, s3, s15, $0xb8;
	[tilespmem:$0xA400] =	vst v63  }
0x76: {  	_ =	swait.ge @!p0 [sflag:s12], $0x1400  }
0x77: {  	s16 =	rddreg [dreg:$0x5];
	[sflag:s12] =	ssyncset.done @!p0 $0x0  }
0x78: {  	s15 =	rddreg [dreg:$0x3]  }
0x79: {  	s17 =	stileid.u32;
	s18 =	simm.s32 $0x28;
	s1 =	simm.s32 $0x5400  }
.LBB2_6:
0x7a: {  	p4 =	por p0, !p4  }
0x7b: {  	[sflag:s12] =	ssyncadd.s32 @!p4 $0xFFFFEC00  }
0x7c: {  	[tilespmem:s1], [sflag:$0x2] =	stream.linear.gather [hbm4b:s16+s4], $0x5000, $0x38;
	[tilespmem:$0xA400] =	vst v63  }
0x7d: {  	_ =	swait.ge [sflag:s10], $0x5000  }
0x7e: {  	s13 =	simm.s32 @p3 $0x5400;
	s12 =	simm.s32 @p3 $0x0;
	[sflag:s10] =	ssyncset.done $0x0  }
0x7f: {  	s1 =	simm.s32 @p3 $0x2;
	s0 =	rddreg [dreg:$0x6];
	[sflag:s10] =	ssyncadd.s32 $0xFFFFB000  }
0x80: {  	[hbm4b:s0+s12] =	stream.linear.scatter @p3 [tilespmem:s13], [sflag:$0x2], $0x4C00, $0x38;
	[tilespmem:$0xA400] =	vst v63  }
0x81: {  	_ =	swait.ge @p3 [sflag:s1], $0x4C00  }
0x82: {  	s12 =	simm.s32 @!p3 $0x2;
	s13 =	simm.s32 @!p3 $0x5400;
	[sflag:s1] =	ssyncset.done @p3 $0x0  }
0x83: {  	s0 =	rddreg [dreg:$0x7];
	[sflag:s1] =	ssyncadd.s32 @p3 $0xFFFFB400;
	s1 =	simm.s32 @!p3 $0x0  }
0x84: {  	[hbm4b:s0+s1] =	stream.linear.scatter @!p3 [tilespmem:s13], [sflag:$0x2], $0x5000, $0x38;
	[tilespmem:$0xA400] =	vst v63  }
0x85: {  	_ =	swait.ge @!p3 [sflag:s12], $0x5000  }
0x86: {  	[sflag:s12] =	ssyncset.done @!p3 $0x0  }
0x87: {  	s29 =	rddreg [dreg:$0x4];
	[sflag:s12] =	ssyncadd.s32 @!p3 $0xFFFFB000  }
0x88: {  	[tilespmem:s4], [sflag:$0x2] =	stream.linear.gather [hbm4b:s29+s4], $0x4000, $0x38;
	[tilespmem:$0xA400] =	vst v63  }
0x89: {  	_ =	swait.ge [sflag:s10], $0x4000  }
0x8a: {  	[sflag:s10] =	ssyncset.done $0x0  }
0x8b: {  	s30 =	rddreg [dreg:$0x8];
	[sflag:s10] =	ssyncadd.s32 $0xFFFFC000  }
0x8c: {  	[tilespmem:s11], [sflag:$0x2] =	stream.linear.gather [hbm4b:s30+s4], $0x1400, $0x38;
	[tilespmem:$0xA400] =	vst v63  }
0x8d: {  	_ =	swait.ge [sflag:s10], $0x1400  }
0x8e: {  	[sflag:s10] =	ssyncset.done $0x0  }
0x8f: {  	s31 =	rddreg [dreg:$0x9];
	[sflag:s10] =	ssyncadd.s32 $0xFFFFEC00  }
0x90: {  	[hbm4b:s2+s18] =	stream.indirect.scatter [tilespmem:s11], [sflag:$0x1], $0x80, s31, s18, $0xb8;
	[tilespmem:$0xA400] =	vst v63  }
0x91: {  	_ =	swait.ge [sflag:s9], $0x1400  }
0x92: {  	s1 =	simm.s32 @!p2 $0x2;
	s4 =	simm.s32 @!p2 $0x0;
	[sflag:s9] =	ssyncset.done $0x0  }
0x93: {  	s0 =	rddreg [dreg:$0xa];
	[sflag:s9] =	ssyncadd.s32 $0xFFFFEC00;
	s9 =	simm.s32 @!p2 $0x4000  }
0x94: {  	[tilespmem:s9], [sflag:$0x2] =	stream.linear.gather @!p2 [hbm4b:s0+s4], $0x1400, $0x38;
	[tilespmem:$0xA400] =	vst v63  }
0x95: {  	_ =	swait.ge @!p2 [sflag:s1], $0x1400  }
0x96: {  	[sflag:s1] =	ssyncset.done @!p2 $0x0  }
0x97: {  	s0 =	simm.s32 @!p2 $0x28;
	[sflag:s1] =	ssyncadd.s32 @!p2 $0xFFFFEC00;
	s1 =	simm.s32 @!p2 $0x1  }
0x98: {  	[hbm4b:s2+s0] =	stream.indirect.scatter @!p2 [tilespmem:s9], [sflag:$0x1], $0x80, s8, s0, $0xb8;
	[tilespmem:$0xA400] =	vst v63  }
0x99: {  	_ =	swait.ge @!p2 [sflag:s1], $0x1400  }
0x9a: {  	s4 =	simm.s32 @!p1 $0x4000;
	[sflag:s1] =	ssyncset.done @!p2 $0x0  }
0x9b: {  	s0 =	simm.s32 @!p1 $0x2;
	[sflag:s1] =	ssyncadd.s32 @!p2 $0xFFFFEC00;
	s1 =	simm.s32 @!p1 $0x0  }
0x9c: {  	[tilespmem:s4], [sflag:$0x2] =	stream.linear.gather @!p1 [hbm4b:s7+s1], $0x1400, $0x38;
	[tilespmem:$0xA400] =	vst v63  }
0x9d: {  	_ =	swait.ge @!p1 [sflag:s0], $0x1400  }
0x9e: {  	[sflag:s0] =	ssyncset.done @!p1 $0x0  }
0x9f: {  	s1 =	simm.s32 @!p1 $0x1;
	[sflag:s0] =	ssyncadd.s32 @!p1 $0xFFFFEC00;
	s0 =	simm.s32 @!p1 $0x28  }
0xa0: {  	[hbm4b:s2+s0] =	stream.indirect.scatter @!p1 [tilespmem:s4], [sflag:$0x1], $0x80, s6, s0, $0xb8;
	[tilespmem:$0xA400] =	vst v63  }
0xa1: {  	_ =	swait.ge @!p1 [sflag:s1], $0x1400  }
0xa2: {  	s0 =	simm.s32 @!p0 $0x2;
	[sflag:s1] =	ssyncset.done @!p1 $0x0  }
0xa3: {  	s4 =	simm.s32 @!p0 $0x4000;
	[sflag:s1] =	ssyncadd.s32 @!p1 $0xFFFFEC00;
	s1 =	simm.s32 @!p0 $0x0  }
0xa4: {  	[tilespmem:s4], [sflag:$0x2] =	stream.linear.gather @!p0 [hbm4b:s5+s1], $0x1400, $0x38;
	[tilespmem:$0xA400] =	vst v63  }
0xa5: {  	_ =	swait.ge @!p0 [sflag:s0], $0x1400  }
0xa6: {  	[sflag:s0] =	ssyncset.done @!p0 $0x0  }
0xa7: {  	s1 =	simm.s32 @!p0 $0x1;
	[sflag:s0] =	ssyncadd.s32 @!p0 $0xFFFFEC00;
	s0 =	simm.s32 @!p0 $0x28  }
0xa8: {  	[hbm4b:s2+s0] =	stream.indirect.scatter @!p0 [tilespmem:s4], [sflag:$0x1], $0x80, s3, s0, $0xb8;
	[tilespmem:$0xA400] =	vst v63  }
0xa9: {  	_ =	swait.ge @!p0 [sflag:s1], $0x1400  }
0xaa: {  	[sflag:s1] =	ssyncset.done @!p0 $0x0  }
0xab: {  	[sflag:s1] =	ssyncadd.s32 @!p0 $0xFFFFEC00  }
0xac: {  	_ =	sfence.sel $0x180000  }
0xad: {  	[bflag:$0x0] =	sbarrier.arrive $0xFFFF  }
0xae: {  	p0 =	sne.s32 s17, $0x0;
	_ =	strace $0x90000047  }
0xaf: {  	s0 =	sadd.s32 @!p0 $0x100000, s15;
	[bflag:$0x2] =	sbarrier.arrive $0xFFFF  }
0xb0: {  	[sflag:s0] =	ssyncadd.tile.s32 @!p0 $0x1;
	_ =	shalt  }
.LBB2_1:
.Ltmp3:
0xb1: {  	(pc) =	sbr.rel .LBB2_6-.Ltmp3, $2  }
0xb2: {  	_ =	sdelay $0x2  }
0xb3: {  	_ = 	snop  }
.LBB2_3:
.Ltmp4:
0xb4: {  	(pc) =	sbr.rel .LBB2_6-.Ltmp4, $3  }
0xb5: {  	_ =	sdelay $0x1  }
0xb6: {  	s15 =	rddreg [dreg:$0x3]  }
0xb7: {  	s17 =	stileid.u32;
	s18 =	simm.s32 $0x28;
	s1 =	simm.s32 $0x5400  }
.Lfunc_end2:
_tile_overlayer_lowered:
.L_overlay_start_2:
0xb8: {  	(tag) =	ssettag $0x2  }
0xb9: {  	s0 =	rddreg [dreg:$0x0];
	s2 =	stileid.u32  }
0xba: {  	s1 =	rddreg [dreg:$0x1];
	p0 =	sne.s32 s2, $0x0  }
0xbb: {  	s3 =	rddreg [dreg:$0x2];
	[bflag:$0x3] =	sbarrier.arrive $0xFFFF;
	s2 =	simm.s32 @!p0 $0x1C02  }
0xbc: {  	[timem:s3], [sflag:s2] =	dma.local @!p0 [hbm:s0], s1  }
0xbd: {  	s0 =	simm.s32 @!p0 $0x2  }
0xbe: {  	_ =	swait.ge @!p0 [sflag:s0], s1  }
0xbf: {  	s1 =	ssub.s32 @!p0 $0x0, s1;
	[sflag:s0] =	ssyncset.done @!p0 $0x0  }
0xc0: {  	[sflag:s0] =	ssyncadd.s32 @!p0 s1  }
0xc1: {  	[bflag:$0x3] =	sbarrier.arrive $0xFFFF  }
0xc2: {  	_ =	shalt  }

</sc_bundles>
